<compile_context>
chip_gen: v7x
topology: tpu7x:2x2x1
jax: 0.10.2.dev20260603
libtpu: 0.0.44.dev20260713+nightly
codegen_flags: <defaults>
</compile_context>

<pallas_src>
import functools

import jax
import jax.numpy as jnp
from jax import lax
from jax.experimental import pallas as pl
from jax.experimental.pallas import tpu as pltpu
from jax.experimental.pallas import tpu_sc as plsc

_NC = 2
_NS = 16
_L = 16
_NW = _NC * _NS

_TABLE_PAD = 128
_NCH = 2
_NB = 2


def _lookup_add(xf, zi, table):
  n = xf.shape[0]
  per_w = n // _NW
  chunk = per_w // _NCH
  mesh = plsc.VectorSubcoreMesh(
      core_axis_name="c", subcore_axis_name="s", num_cores=_NC
  )

  @functools.partial(
      pl.kernel,
      out_type=jax.ShapeDtypeStruct((n,), jnp.float32),
      mesh=mesh,
      compiler_params=pltpu.CompilerParams(needs_layout_passes=False),
      scratch_types=[
          pltpu.VMEM((_TABLE_PAD,), jnp.float32),
          pltpu.VMEM((chunk,), jnp.int32),
          pltpu.VMEM((chunk,), jnp.int32),
          pltpu.VMEM((chunk,), jnp.float32),
          pltpu.VMEM((chunk,), jnp.float32),
          pltpu.SemaphoreType.DMA((_NB,)),
          pltpu.SemaphoreType.DMA((_NB,)),
          pltpu.SemaphoreType.DMA((_NB,)),
      ],
  )
  def body(x_hbm, z_hbm, tab_hbm, out_hbm, tab_v, z_v0, z_v1, o_v0, o_v1,
           sem_z, sem_x, sem_o):
    wid = lax.axis_index("s") * _NC + lax.axis_index("c")
    base = wid * per_w
    z_bufs = (z_v0, z_v1)
    o_bufs = (o_v0, o_v1)

    def start_in(k):
      b = k % _NB
      lo = base + k * chunk
      cz = pltpu.async_copy(z_hbm.at[pl.ds(lo, chunk)], z_bufs[b],
                            sem_z.at[b])
      cx = pltpu.async_copy(x_hbm.at[pl.ds(lo, chunk)], o_bufs[b],
                            sem_x.at[b])
      return cz, cx

    in_copies = {0: start_in(0)}
    out_copies = {}
    pltpu.sync_copy(tab_hbm, tab_v.at[pl.ds(0, tab_hbm.shape[0])])

    for k in range(_NCH):
      b = k % _NB
      if k + 1 < _NCH:
        if k - 1 >= 0:
          out_copies[k - 1].wait()
        in_copies[k + 1] = start_in(k + 1)
      cz, cx = in_copies.pop(k)
      cz.wait()
      cx.wait()

      @plsc.parallel_loop(0, chunk, _L, unroll=4)
      def _(i, _zb=z_bufs[b], _ob=o_bufs[b]):
        vals = plsc.load_gather(tab_v, [_zb[pl.ds(i, _L)]])
        plsc.addupdate(_ob.at[pl.ds(i, _L)], vals)

      out_copies[k] = pltpu.async_copy(
          o_bufs[b], out_hbm.at[pl.ds(base + k * chunk, chunk)], sem_o.at[b]
      )

    for k in range(_NCH - 2, _NCH):
      out_copies[k].wait()

  return body(xf, zi, table)


def kernel(x, z, atomref_weight):
  out = _lookup_add(x[:, 0], z.astype(jnp.int32), atomref_weight[:, 0])
  return out[:, None]

# --- scband reference (transcript-rebuilt; emitter-appended) ---
"""Pipeline reference for scband-atomref-20031727469011 (READ-ONLY COPY).

The authoritative reference and input builder live on the scoring server;
editing this copy changes nothing except your own understanding.
"""

import jax, jax.numpy as jnp
import numpy as np

N = 1048576
MAX_Z = 100

def setup_inputs(seed: int = 0) -> dict:
    key = jax.random.key(seed)
    k_x, k_z, k_w = jax.random.split(key, 3)
    x = jax.random.normal(k_x, (N, 1), dtype=jnp.float32)
    z = jax.random.randint(k_z, (N,), 0, MAX_Z, dtype=jnp.int64 if jax.config.jax_enable_x64 else jnp.int32)
    # Embedding table initialized from initial_atomref (zeros by default in the module),
    # but we use random values so the lookup is nontrivial.
    atomref_weight = jax.random.normal(k_w, (MAX_Z, 1), dtype=jnp.float32)
    return {"x": x, "z": z, "atomref_weight": atomref_weight}

def reference(x, z, atomref_weight):
    # Faithful translation of Atomref.forward: x + self.atomref(z)
    # nn.Embedding(z) -> gather rows of the weight table
    return x + jnp.take(atomref_weight, z, axis=0)

if __name__ == "__main__":
    import jax
    _d = setup_inputs()
    print(jax.jit(kernel)(*tuple(_d.values())))

</pallas_src>

<mosaic_0001>
#map = affine_map<(d0, d1) -> (0)>
module attributes {stable_mosaic.version = 14 : i64} {
  func.func @body(%arg0: i32, %arg1: i32, %arg2: memref<1048576xf32, #tpu.memory_space<hbm>>, %arg3: memref<1048576xi32, #tpu.memory_space<hbm>>, %arg4: memref<100xf32, #tpu.memory_space<hbm>>, %arg5: memref<1048576xf32, #tpu.memory_space<hbm>>, %arg6: memref<128xf32, #tpu.memory_space<vmem>>, %arg7: memref<16384xi32, #tpu.memory_space<vmem>>, %arg8: memref<16384xi32, #tpu.memory_space<vmem>>, %arg9: memref<16384xf32, #tpu.memory_space<vmem>>, %arg10: memref<16384xf32, #tpu.memory_space<vmem>>, %arg11: memref<2x!tpu.dma_semaphore, #tpu.memory_space<semaphore_mem>>, %arg12: memref<2x!tpu.dma_semaphore, #tpu.memory_space<semaphore_mem>>, %arg13: memref<2x!tpu.dma_semaphore, #tpu.memory_space<semaphore_mem>>) attributes {dimension_semantics = [#tpu.dimension_semantics<core_parallel>, #tpu.dimension_semantics<subcore_parallel>], iteration_bounds = array<i64: 2, 16>, scalar_prefetch = 0 : i64, scratch_operands = 8 : i64, tpu.core_type = #tpu.core_type<sc_vector_subcore>, window_params = [{transform_indices = #map}, {transform_indices = #map}, {transform_indices = #map}, {transform_indices = #map}]} {
    %mul3A = arith.constant 2 : i32
    %mul3A_0 = arith.muli %arg1, %mul3A : i32
    %add3A = arith.addi %mul3A_0, %arg0 : i32
    %mul3A_1 = arith.constant 32768 : i32
    %mul3A_2 = arith.muli %add3A, %mul3A_1 : i32
    %add3A_3 = arith.constant 0 : i32
    %add3A_4 = arith.addi %mul3A_2, %add3A_3 : i32
    %dma_start3A = arith.constant 0 : i32
    %dma_start3A_5 = tpu.memref_slice %arg3[%add3A_4] : memref<1048576xi32, #tpu.memory_space<hbm>> -> memref<16384xi32, #tpu.memory_space<hbm>>
    %dma_start3A_6 = tpu.memref_slice %arg11[%dma_start3A] : memref<2x!tpu.dma_semaphore, #tpu.memory_space<semaphore_mem>> -> memref<1x!tpu.dma_semaphore, #tpu.memory_space<semaphore_mem>>
    %dma_start3A_7 = tpu.memref_squeeze %dma_start3A_6 : memref<1x!tpu.dma_semaphore, #tpu.memory_space<semaphore_mem>> -> memref<!tpu.dma_semaphore, #tpu.memory_space<semaphore_mem>>
    %dma_start3A_8 = tpu.memref_slice %arg3[%add3A_4] : memref<1048576xi32, #tpu.memory_space<hbm>> -> memref<16384xi32, #tpu.memory_space<hbm>>
    tpu.enqueue_dma source(%dma_start3A_8 : memref<16384xi32, #tpu.memory_space<hbm>>) target(%arg7 : memref<16384xi32, #tpu.memory_space<vmem>>) target_semaphore(%dma_start3A_7 : memref<!tpu.dma_semaphore, #tpu.memory_space<semaphore_mem>>)
    %dma_start3A_9 = arith.constant 0 : i32
    %dma_start3A_10 = tpu.memref_slice %arg2[%add3A_4] : memref<1048576xf32, #tpu.memory_space<hbm>> -> memref<16384xf32, #tpu.memory_space<hbm>>
    %dma_start3A_11 = tpu.memref_slice %arg12[%dma_start3A_9] : memref<2x!tpu.dma_semaphore, #tpu.memory_space<semaphore_mem>> -> memref<1x!tpu.dma_semaphore, #tpu.memory_space<semaphore_mem>>
    %dma_start3A_12 = tpu.memref_squeeze %dma_start3A_11 : memref<1x!tpu.dma_semaphore, #tpu.memory_space<semaphore_mem>> -> memref<!tpu.dma_semaphore, #tpu.memory_space<semaphore_mem>>
    %dma_start3A_13 = tpu.memref_slice %arg2[%add3A_4] : memref<1048576xf32, #tpu.memory_space<hbm>> -> memref<16384xf32, #tpu.memory_space<hbm>>
    tpu.enqueue_dma source(%dma_start3A_13 : memref<16384xf32, #tpu.memory_space<hbm>>) target(%arg9 : memref<16384xf32, #tpu.memory_space<vmem>>) target_semaphore(%dma_start3A_12 : memref<!tpu.dma_semaphore, #tpu.memory_space<semaphore_mem>>)
    "tpu.region"() ({
      %run_scoped3A = tpu.sem_alloc : memref<!tpu.dma_semaphore, #tpu.memory_space<semaphore_mem>>
      %dma_start3A_74 = arith.constant 0 : i32
      %dma_start3A_75 = tpu.memref_slice %arg6[%dma_start3A_74] : memref<128xf32, #tpu.memory_space<vmem>> -> memref<100xf32, #tpu.memory_space<vmem>>
      %dma_start3A_76 = arith.constant 0 : i32
      %dma_start3A_77 = tpu.memref_slice %arg6[%dma_start3A_76] : memref<128xf32, #tpu.memory_space<vmem>> -> memref<100xf32, #tpu.memory_space<vmem>>
      tpu.enqueue_dma source(%arg4 : memref<100xf32, #tpu.memory_space<hbm>>) target(%dma_start3A_77 : memref<100xf32, #tpu.memory_space<vmem>>) target_semaphore(%run_scoped3A : memref<!tpu.dma_semaphore, #tpu.memory_space<semaphore_mem>>)
      %dma_wait3A_78 = arith.constant 0 : i32
      %dma_wait3A_79 = tpu.memref_slice %arg6[%dma_wait3A_78] : memref<128xf32, #tpu.memory_space<vmem>> -> memref<100xf32, #tpu.memory_space<vmem>>
      %dma_wait3A_80 = arith.constant 0 : i32
      %dma_wait3A_81 = tpu.memref_slice %arg6[%dma_wait3A_80] : memref<128xf32, #tpu.memory_space<vmem>> -> memref<100xf32, #tpu.memory_space<vmem>>
      tpu.wait_dma2 semaphore(%run_scoped3A : memref<!tpu.dma_semaphore, #tpu.memory_space<semaphore_mem>>) src(%arg4 : memref<100xf32, #tpu.memory_space<hbm>>) dst(%dma_wait3A_81 : memref<100xf32, #tpu.memory_space<vmem>>)
      tpu.yield
    }) : () -> ()
    %add3A_14 = arith.constant 16384 : i32
    %add3A_15 = arith.addi %mul3A_2, %add3A_14 : i32
    %dma_start3A_16 = arith.constant 1 : i32
    %dma_start3A_17 = tpu.memref_slice %arg3[%add3A_15] : memref<1048576xi32, #tpu.memory_space<hbm>> -> memref<16384xi32, #tpu.memory_space<hbm>>
    %dma_start3A_18 = tpu.memref_slice %arg11[%dma_start3A_16] : memref<2x!tpu.dma_semaphore, #tpu.memory_space<semaphore_mem>> -> memref<1x!tpu.dma_semaphore, #tpu.memory_space<semaphore_mem>>
    %dma_start3A_19 = tpu.memref_squeeze %dma_start3A_18 : memref<1x!tpu.dma_semaphore, #tpu.memory_space<semaphore_mem>> -> memref<!tpu.dma_semaphore, #tpu.memory_space<semaphore_mem>>
    %dma_start3A_20 = tpu.memref_slice %arg3[%add3A_15] : memref<1048576xi32, #tpu.memory_space<hbm>> -> memref<16384xi32, #tpu.memory_space<hbm>>
    tpu.enqueue_dma source(%dma_start3A_20 : memref<16384xi32, #tpu.memory_space<hbm>>) target(%arg8 : memref<16384xi32, #tpu.memory_space<vmem>>) target_semaphore(%dma_start3A_19 : memref<!tpu.dma_semaphore, #tpu.memory_space<semaphore_mem>>)
    %dma_start3A_21 = arith.constant 1 : i32
    %dma_start3A_22 = tpu.memref_slice %arg2[%add3A_15] : memref<1048576xf32, #tpu.memory_space<hbm>> -> memref<16384xf32, #tpu.memory_space<hbm>>
    %dma_start3A_23 = tpu.memref_slice %arg12[%dma_start3A_21] : memref<2x!tpu.dma_semaphore, #tpu.memory_space<semaphore_mem>> -> memref<1x!tpu.dma_semaphore, #tpu.memory_space<semaphore_mem>>
    %dma_start3A_24 = tpu.memref_squeeze %dma_start3A_23 : memref<1x!tpu.dma_semaphore, #tpu.memory_space<semaphore_mem>> -> memref<!tpu.dma_semaphore, #tpu.memory_space<semaphore_mem>>
    %dma_start3A_25 = tpu.memref_slice %arg2[%add3A_15] : memref<1048576xf32, #tpu.memory_space<hbm>> -> memref<16384xf32, #tpu.memory_space<hbm>>
    tpu.enqueue_dma source(%dma_start3A_25 : memref<16384xf32, #tpu.memory_space<hbm>>) target(%arg10 : memref<16384xf32, #tpu.memory_space<vmem>>) target_semaphore(%dma_start3A_24 : memref<!tpu.dma_semaphore, #tpu.memory_space<semaphore_mem>>)
    %dma_wait3A = arith.constant 0 : i32
    %dma_wait3A_26 = tpu.memref_slice %arg3[%add3A_4] : memref<1048576xi32, #tpu.memory_space<hbm>> -> memref<16384xi32, #tpu.memory_space<hbm>>
    %dma_wait3A_27 = tpu.memref_slice %arg11[%dma_wait3A] : memref<2x!tpu.dma_semaphore, #tpu.memory_space<semaphore_mem>> -> memref<1x!tpu.dma_semaphore, #tpu.memory_space<semaphore_mem>>
    %dma_wait3A_28 = tpu.memref_squeeze %dma_wait3A_27 : memref<1x!tpu.dma_semaphore, #tpu.memory_space<semaphore_mem>> -> memref<!tpu.dma_semaphore, #tpu.memory_space<semaphore_mem>>
    %dma_wait3A_29 = tpu.memref_slice %arg3[%add3A_4] : memref<1048576xi32, #tpu.memory_space<hbm>> -> memref<16384xi32, #tpu.memory_space<hbm>>
    tpu.wait_dma2 semaphore(%dma_wait3A_28 : memref<!tpu.dma_semaphore, #tpu.memory_space<semaphore_mem>>) src(%dma_wait3A_29 : memref<16384xi32, #tpu.memory_space<hbm>>) dst(%arg7 : memref<16384xi32, #tpu.memory_space<vmem>>)
    %dma_wait3A_30 = arith.constant 0 : i32
    %dma_wait3A_31 = tpu.memref_slice %arg2[%add3A_4] : memref<1048576xf32, #tpu.memory_space<hbm>> -> memref<16384xf32, #tpu.memory_space<hbm>>
    %dma_wait3A_32 = tpu.memref_slice %arg12[%dma_wait3A_30] : memref<2x!tpu.dma_semaphore, #tpu.memory_space<semaphore_mem>> -> memref<1x!tpu.dma_semaphore, #tpu.memory_space<semaphore_mem>>
    %dma_wait3A_33 = tpu.memref_squeeze %dma_wait3A_32 : memref<1x!tpu.dma_semaphore, #tpu.memory_space<semaphore_mem>> -> memref<!tpu.dma_semaphore, #tpu.memory_space<semaphore_mem>>
    %dma_wait3A_34 = tpu.memref_slice %arg2[%add3A_4] : memref<1048576xf32, #tpu.memory_space<hbm>> -> memref<16384xf32, #tpu.memory_space<hbm>>
    tpu.wait_dma2 semaphore(%dma_wait3A_33 : memref<!tpu.dma_semaphore, #tpu.memory_space<semaphore_mem>>) src(%dma_wait3A_34 : memref<16384xf32, #tpu.memory_space<hbm>>) dst(%arg9 : memref<16384xf32, #tpu.memory_space<vmem>>)
    %parallel_loop3A = arith.constant 0 : i32
    %parallel_loop3A_35 = arith.constant 16384 : i32
    %parallel_loop3A_36 = arith.constant 16 : i32
    scf.for %parallel_loop3A_74 = %parallel_loop3A to %parallel_loop3A_35 step %parallel_loop3A_36  : i32 {
      %parallel_loop3A_75 = arith.index_cast %parallel_loop3A_74 : i32 to index
      %parallel_loop3A_76 = tpu.vector_load %arg7[%parallel_loop3A_75] {strides = array<i32>} : memref<16384xi32, #tpu.memory_space<vmem>>, vector<16xi32>,
      %parallel_loop3A_77 = tpu.vector_load_idx %arg6[%parallel_loop3A_76] : memref<128xf32, #tpu.memory_space<vmem>>[vector<16xi32>], vector<16xf32>,
      %parallel_loop3A_78 = arith.index_cast %parallel_loop3A_74 : i32 to index
      %parallel_loop3A_79 = tpu.vector_load %arg9[%parallel_loop3A_78] {strides = array<i32>} : memref<16384xf32, #tpu.memory_space<vmem>>, vector<16xf32>,
      tpu.vector_store %arg9[%parallel_loop3A_78], %parallel_loop3A_77 {add = true, strides = array<i32>} : memref<16384xf32, #tpu.memory_space<vmem>>, vector<16xf32>,
    } {sc.loop_unroll_factor = 4 : i64, sc.parallel_access}
    %add3A_37 = arith.constant 0 : i32
    %add3A_38 = arith.addi %mul3A_2, %add3A_37 : i32
    %dma_start3A_39 = arith.constant 0 : i32
    %dma_start3A_40 = tpu.memref_slice %arg5[%add3A_38] : memref<1048576xf32, #tpu.memory_space<hbm>> -> memref<16384xf32, #tpu.memory_space<hbm>>
    %dma_start3A_41 = tpu.memref_slice %arg13[%dma_start3A_39] : memref<2x!tpu.dma_semaphore, #tpu.memory_space<semaphore_mem>> -> memref<1x!tpu.dma_semaphore, #tpu.memory_space<semaphore_mem>>
    %dma_start3A_42 = tpu.memref_squeeze %dma_start3A_41 : memref<1x!tpu.dma_semaphore, #tpu.memory_space<semaphore_mem>> -> memref<!tpu.dma_semaphore, #tpu.memory_space<semaphore_mem>>
    %dma_start3A_43 = tpu.memref_slice %arg5[%add3A_38] : memref<1048576xf32, #tpu.memory_space<hbm>> -> memref<16384xf32, #tpu.memory_space<hbm>>
    tpu.enqueue_dma source(%arg9 : memref<16384xf32, #tpu.memory_space<vmem>>) target(%dma_start3A_43 : memref<16384xf32, #tpu.memory_space<hbm>>) target_semaphore(%dma_start3A_42 : memref<!tpu.dma_semaphore, #tpu.memory_space<semaphore_mem>>)
    %dma_wait3A_44 = arith.constant 1 : i32
    %dma_wait3A_45 = tpu.memref_slice %arg3[%add3A_15] : memref<1048576xi32, #tpu.memory_space<hbm>> -> memref<16384xi32, #tpu.memory_space<hbm>>
    %dma_wait3A_46 = tpu.memref_slice %arg11[%dma_wait3A_44] : memref<2x!tpu.dma_semaphore, #tpu.memory_space<semaphore_mem>> -> memref<1x!tpu.dma_semaphore, #tpu.memory_space<semaphore_mem>>
    %dma_wait3A_47 = tpu.memref_squeeze %dma_wait3A_46 : memref<1x!tpu.dma_semaphore, #tpu.memory_space<semaphore_mem>> -> memref<!tpu.dma_semaphore, #tpu.memory_space<semaphore_mem>>
    %dma_wait3A_48 = tpu.memref_slice %arg3[%add3A_15] : memref<1048576xi32, #tpu.memory_space<hbm>> -> memref<16384xi32, #tpu.memory_space<hbm>>
    tpu.wait_dma2 semaphore(%dma_wait3A_47 : memref<!tpu.dma_semaphore, #tpu.memory_space<semaphore_mem>>) src(%dma_wait3A_48 : memref<16384xi32, #tpu.memory_space<hbm>>) dst(%arg8 : memref<16384xi32, #tpu.memory_space<vmem>>)
    %dma_wait3A_49 = arith.constant 1 : i32
    %dma_wait3A_50 = tpu.memref_slice %arg2[%add3A_15] : memref<1048576xf32, #tpu.memory_space<hbm>> -> memref<16384xf32, #tpu.memory_space<hbm>>
    %dma_wait3A_51 = tpu.memref_slice %arg12[%dma_wait3A_49] : memref<2x!tpu.dma_semaphore, #tpu.memory_space<semaphore_mem>> -> memref<1x!tpu.dma_semaphore, #tpu.memory_space<semaphore_mem>>
    %dma_wait3A_52 = tpu.memref_squeeze %dma_wait3A_51 : memref<1x!tpu.dma_semaphore, #tpu.memory_space<semaphore_mem>> -> memref<!tpu.dma_semaphore, #tpu.memory_space<semaphore_mem>>
    %dma_wait3A_53 = tpu.memref_slice %arg2[%add3A_15] : memref<1048576xf32, #tpu.memory_space<hbm>> -> memref<16384xf32, #tpu.memory_space<hbm>>
    tpu.wait_dma2 semaphore(%dma_wait3A_52 : memref<!tpu.dma_semaphore, #tpu.memory_space<semaphore_mem>>) src(%dma_wait3A_53 : memref<16384xf32, #tpu.memory_space<hbm>>) dst(%arg10 : memref<16384xf32, #tpu.memory_space<vmem>>)
    %parallel_loop3A_54 = arith.constant 0 : i32
    %parallel_loop3A_55 = arith.constant 16384 : i32
    %parallel_loop3A_56 = arith.constant 16 : i32
    scf.for %parallel_loop3A_74 = %parallel_loop3A_54 to %parallel_loop3A_55 step %parallel_loop3A_56  : i32 {
      %parallel_loop3A_75 = arith.index_cast %parallel_loop3A_74 : i32 to index
      %parallel_loop3A_76 = tpu.vector_load %arg8[%parallel_loop3A_75] {strides = array<i32>} : memref<16384xi32, #tpu.memory_space<vmem>>, vector<16xi32>,
      %parallel_loop3A_77 = tpu.vector_load_idx %arg6[%parallel_loop3A_76] : memref<128xf32, #tpu.memory_space<vmem>>[vector<16xi32>], vector<16xf32>,
      %parallel_loop3A_78 = arith.index_cast %parallel_loop3A_74 : i32 to index
      %parallel_loop3A_79 = tpu.vector_load %arg10[%parallel_loop3A_78] {strides = array<i32>} : memref<16384xf32, #tpu.memory_space<vmem>>, vector<16xf32>,
      tpu.vector_store %arg10[%parallel_loop3A_78], %parallel_loop3A_77 {add = true, strides = array<i32>} : memref<16384xf32, #tpu.memory_space<vmem>>, vector<16xf32>,
    } {sc.loop_unroll_factor = 4 : i64, sc.parallel_access}
    %add3A_57 = arith.constant 16384 : i32
    %add3A_58 = arith.addi %mul3A_2, %add3A_57 : i32
    %dma_start3A_59 = arith.constant 1 : i32
    %dma_start3A_60 = tpu.memref_slice %arg5[%add3A_58] : memref<1048576xf32, #tpu.memory_space<hbm>> -> memref<16384xf32, #tpu.memory_space<hbm>>
    %dma_start3A_61 = tpu.memref_slice %arg13[%dma_start3A_59] : memref<2x!tpu.dma_semaphore, #tpu.memory_space<semaphore_mem>> -> memref<1x!tpu.dma_semaphore, #tpu.memory_space<semaphore_mem>>
    %dma_start3A_62 = tpu.memref_squeeze %dma_start3A_61 : memref<1x!tpu.dma_semaphore, #tpu.memory_space<semaphore_mem>> -> memref<!tpu.dma_semaphore, #tpu.memory_space<semaphore_mem>>
    %dma_start3A_63 = tpu.memref_slice %arg5[%add3A_58] : memref<1048576xf32, #tpu.memory_space<hbm>> -> memref<16384xf32, #tpu.memory_space<hbm>>
    tpu.enqueue_dma source(%arg10 : memref<16384xf32, #tpu.memory_space<vmem>>) target(%dma_start3A_63 : memref<16384xf32, #tpu.memory_space<hbm>>) target_semaphore(%dma_start3A_62 : memref<!tpu.dma_semaphore, #tpu.memory_space<semaphore_mem>>)
    %dma_wait3A_64 = arith.constant 0 : i32
    %dma_wait3A_65 = tpu.memref_slice %arg5[%add3A_38] : memref<1048576xf32, #tpu.memory_space<hbm>> -> memref<16384xf32, #tpu.memory_space<hbm>>
    %dma_wait3A_66 = tpu.memref_slice %arg13[%dma_wait3A_64] : memref<2x!tpu.dma_semaphore, #tpu.memory_space<semaphore_mem>> -> memref<1x!tpu.dma_semaphore, #tpu.memory_space<semaphore_mem>>
    %dma_wait3A_67 = tpu.memref_squeeze %dma_wait3A_66 : memref<1x!tpu.dma_semaphore, #tpu.memory_space<semaphore_mem>> -> memref<!tpu.dma_semaphore, #tpu.memory_space<semaphore_mem>>
    %dma_wait3A_68 = tpu.memref_slice %arg5[%add3A_38] : memref<1048576xf32, #tpu.memory_space<hbm>> -> memref<16384xf32, #tpu.memory_space<hbm>>
    tpu.wait_dma2 semaphore(%dma_wait3A_67 : memref<!tpu.dma_semaphore, #tpu.memory_space<semaphore_mem>>) src(%arg9 : memref<16384xf32, #tpu.memory_space<vmem>>) dst(%dma_wait3A_68 : memref<16384xf32, #tpu.memory_space<hbm>>)
    %dma_wait3A_69 = arith.constant 1 : i32
    %dma_wait3A_70 = tpu.memref_slice %arg5[%add3A_58] : memref<1048576xf32, #tpu.memory_space<hbm>> -> memref<16384xf32, #tpu.memory_space<hbm>>
    %dma_wait3A_71 = tpu.memref_slice %arg13[%dma_wait3A_69] : memref<2x!tpu.dma_semaphore, #tpu.memory_space<semaphore_mem>> -> memref<1x!tpu.dma_semaphore, #tpu.memory_space<semaphore_mem>>
    %dma_wait3A_72 = tpu.memref_squeeze %dma_wait3A_71 : memref<1x!tpu.dma_semaphore, #tpu.memory_space<semaphore_mem>> -> memref<!tpu.dma_semaphore, #tpu.memory_space<semaphore_mem>>
    %dma_wait3A_73 = tpu.memref_slice %arg5[%add3A_58] : memref<1048576xf32, #tpu.memory_space<hbm>> -> memref<16384xf32, #tpu.memory_space<hbm>>
    tpu.wait_dma2 semaphore(%dma_wait3A_72 : memref<!tpu.dma_semaphore, #tpu.memory_space<semaphore_mem>>) src(%arg10 : memref<16384xf32, #tpu.memory_space<vmem>>) dst(%dma_wait3A_73 : memref<16384xf32, #tpu.memory_space<hbm>>)
    return
  }
}

</mosaic_0001>

<sc_bundles>
// kernel: kernel.3.cloned.1.call-start
scs
__scs_entry_jumppad:
0x0: {  	(pc) =	sbr.rel $0x88, $3  }
0x1: {  	(tag) =	ssettag $0x0;
	lr =	simm.s32 $0x1  }
0x2: {  	[smem:$0x3F9E] =	sst lr;
	_ =	strace $0xD0000000  }
0x3: {  	_ = 	snop  }
0x4: {  	_ = 	snop  }
0x5: {  	_ = 	snop  }
0x6: {  	_ = 	snop  }
0x7: {  	_ = 	snop  }
__scs_overlays_trampoline_lowered:
0x8: {  	[smem:$0x3FAD] =	sst s0  }
0x9: {  	[smem:$0x3FAE] =	sst s1  }
0xa: {  	[smem:$0x3FAF] =	sst s2  }
0xb: {  	[smem:$0x3FB0] =	sst s3  }
0xc: {  	[smem:$0x3FB1] =	sst s4  }
0xd: {  	[smem:$0x3FB2] =	sst s5  }
0xe: {  	[smem:$0x3FB3] =	sst s6  }
0xf: {  	[smem:$0x3FB4] =	sst s7  }
0x10: {  	[smem:$0x3FB5] =	sst s8  }
0x11: {  	[smem:$0x3FB6] =	sst s9;
	s0 =	simm.s32 @!p0 $0x0  }
0x12: {  	s1 =	sld [smem:$0x3F9C];
	s0 =	simm.s32 @p0 $0x1  }
0x13: {  	[smem:$0x3FB7] =	sst s0;
	s0 =	simm.s32 @!p1 $0x0  }
0x14: {  	s2 =	sld [smem:$0x3F9B];
	s0 =	simm.s32 @p1 $0x1  }
0x15: {  	[smem:$0x3FB8] =	sst s0;
	s0 =	simm.s32 @!p2 $0x0  }
0x16: {  	s3 =	sld [smem:$0x3FDB];
	s0 =	simm.s32 @p2 $0x1  }
0x17: {  	s4 =	simm.s32 $0x1BF5;
	[smem:$0x3FBA] =	sst s0  }
0x18: {  	s0 =	sld [smem:$0x3F9D];
	_ =	swait.ge [sflag:s4], $0x0  }
0x19: {  	s7 =	sld [smem:$0x3F9E]  }
0x1a: {  	s8 =	sadd.s32 $0xFFFFE003, lr  }
0x1b: {  	s9 =	sadd.s32 $0xFFFFFEF7, lr;
	s5 =	simm.s32 $0xFFFFFFFF;
	p2 =	slt.u32 s8, $0xFFFFF086  }
0x1c: {  	p1 =	slt.u32 s9, $0xF7A;
	s5 =	simm.s32 @!p2 $0x0  }
0x1d: {  	s5 =	simm.s32 @p1 $0x1;
	p0 =	seq.s32 s7, s2  }
0x1e: {  	s7 =	smul.u32 @!p0 $0xF7A, s2;
	p2 =	seq.s32 @!p0 s5, $0x0  }
0x1f: {  	s9 =	smul.u32 $0xF7A, s1;
	s8 =	simm.s32 @!p0 $0x1BF5;
	p2 =	por !p2, p0  }
0x20: {  	[sflag:s8] =	ssyncset.s32 @!p0 $0xFFFFF086;
	s6 =	sadd.s32 @!p0 s3, s7;
	s7 =	simm.s32 @!p0 $0x108  }
0x21: {  	s3 =	sadd.s32 s3, s9;
	s6 =	sadd.s32 @!p0 $0x88, s6;
	s7 =	simm.s32 @p2 $0x1082  }
0x22: {  	[simem:s7], [sflag:s8] =	dma.local @!p0 [hbm:s6], $0xF7A  }
0x23: {  	s9 =	sor.u32 $0xD0000000, s2;
	s6 =	simm.s32 $0x108;
	_ =	swait.ge @!p0 [sflag:s8], $0x0  }
0x24: {  	s3 =	sadd.s32 $0x88, s3;
	s6 =	simm.s32 @!p1 $0x1082;
	[sflag:s4] =	ssyncset.s32 $0xFFFFF086  }
0x25: {  	[simem:s6], [sflag:s4] =	dma.local [hbm:s3], $0xF7A  }
0x26: {  	[smem:$0x3F9E] =	sst s1;
	(tag) =	ssettag s2;
	_ =	strace s9  }
0x27: {  	s1 =	sld [smem:$0x3FAE]  }
0x28: {  	s2 =	sld [smem:$0x3FAF]  }
0x29: {  	s4 =	sld [smem:$0x3FB1]  }
0x2a: {  	p0 =	seq.s32 s5, $0x0;
	s5 =	sld [smem:$0x3FB2]  }
0x2b: {  	s6 =	sld [smem:$0x3FB3]  }
0x2c: {  	s7 =	sld [smem:$0x3FB4]  }
0x2d: {  	s3 =	simm.s32 $0x108;
	s8 =	sld [smem:$0x3FB5]  }
0x2e: {  	s3 =	simm.s32 @!p0 $0x1082;
	s9 =	sld [smem:$0x3FB6]  }
0x2f: {  	lr =	sadd.s32 s0, s3;
	s0 =	sld [smem:$0x3FAD]  }
0x30: {  	s3 =	sld [smem:$0x3FB0]  }
0x31: {  	[smem:$0x3FB9] =	sst s10  }
0x32: {  	s10 =	sld [smem:$0x3FB7];
	_ =	sdelay $0x3  }
0x33: {  	p0 =	seq.s32 s10, $0x1;
	s10 =	sld [smem:$0x3FB9];
	_ =	sdelay $0x3  }
0x34: {  	[smem:$0x3FB9] =	sst s10  }
0x35: {  	s10 =	sld [smem:$0x3FB8];
	_ =	sdelay $0x3  }
0x36: {  	p1 =	seq.s32 s10, $0x1;
	s10 =	sld [smem:$0x3FB9];
	_ =	sdelay $0x3  }
0x37: {  	[smem:$0x3FB9] =	sst s10  }
0x38: {  	s10 =	sld [smem:$0x3FBA]  }
0x39: {  	_ = 	snop;
	(pc) =	sbr.ind lr, $3  }
0x3a: {  	_ = 	snop  }
0x3b: {  	_ = 	snop  }
0x3c: {  	p2 =	seq.s32 s10, $0x1;
	s10 =	sld [smem:$0x3FB9]  }
0x3d: {  	_ =	shalt  }
0x3e: {  	_ =	shalt  }
0x3f: {  	_ =	shalt  }
0x40: {  	_ =	shalt  }
0x41: {  	_ =	shalt  }
0x42: {  	_ =	shalt  }
0x43: {  	_ =	shalt  }
0x44: {  	_ =	shalt  }
0x45: {  	_ =	shalt  }
0x46: {  	_ =	shalt  }
0x47: {  	_ =	shalt  }
0x48: {  	_ =	shalt  }
0x49: {  	_ =	shalt  }
0x4a: {  	_ =	shalt  }
0x4b: {  	_ =	shalt  }
0x4c: {  	_ =	shalt  }
0x4d: {  	_ =	shalt  }
0x4e: {  	_ =	shalt  }
0x4f: {  	_ =	shalt  }
0x50: {  	_ =	shalt  }
0x51: {  	_ =	shalt  }
0x52: {  	_ =	shalt  }
0x53: {  	_ =	shalt  }
0x54: {  	_ =	shalt  }
0x55: {  	_ =	shalt  }
0x56: {  	_ =	shalt  }
0x57: {  	_ =	shalt  }
0x58: {  	_ =	shalt  }
0x59: {  	_ =	shalt  }
0x5a: {  	_ =	shalt  }
0x5b: {  	_ =	shalt  }
0x5c: {  	_ =	shalt  }
0x5d: {  	_ =	shalt  }
0x5e: {  	_ =	shalt  }
0x5f: {  	_ =	shalt  }
0x60: {  	_ =	shalt  }
0x61: {  	_ =	shalt  }
0x62: {  	_ =	shalt  }
0x63: {  	_ =	shalt  }
0x64: {  	_ =	shalt  }
0x65: {  	_ =	shalt  }
0x66: {  	_ =	shalt  }
0x67: {  	_ =	shalt  }
0x68: {  	_ =	shalt  }
0x69: {  	_ =	shalt  }
0x6a: {  	_ =	shalt  }
0x6b: {  	_ =	shalt  }
0x6c: {  	_ =	shalt  }
0x6d: {  	_ =	shalt  }
0x6e: {  	_ =	shalt  }
0x6f: {  	_ =	shalt  }
0x70: {  	_ =	shalt  }
0x71: {  	_ =	shalt  }
0x72: {  	_ =	shalt  }
0x73: {  	_ =	shalt  }
0x74: {  	_ =	shalt  }
0x75: {  	_ =	shalt  }
0x76: {  	_ =	shalt  }
0x77: {  	_ =	shalt  }
0x78: {  	_ =	shalt  }
0x79: {  	_ =	shalt  }
0x7a: {  	_ =	shalt  }
0x7b: {  	_ =	shalt  }
0x7c: {  	_ =	shalt  }
0x7d: {  	_ =	shalt  }
0x7e: {  	_ =	shalt  }
0x7f: {  	_ =	shalt  }
0x80: {  	_ =	shalt  }
0x81: {  	_ =	shalt  }
0x82: {  	_ =	shalt  }
0x83: {  	_ =	shalt  }
0x84: {  	_ =	shalt  }
0x85: {  	_ =	shalt  }
0x86: {  	_ =	shalt  }
0x87: {  	_ =	shalt  }
.Lfunc_end0:
.L_simem_size_0:
called_computation_lowered:
.L_overlay_start_0:
0x88: {  	s2 =	sld [smem:$0x3FD9]  }
0x89: {  	s3 =	sld [smem:$0x3FFE];
	_ =	sdelay $0x1  }
0x8a: {  	s1 =	srdreg.scid  }
0x8b: {  	s0 =	sand.u32 $0x1, s1  }
0x8c: {  	s18 =	sshll.u32 s0, $0xA;
	s2 =	sadd.s32 s3, s2  }
0x8d: {  	s2 =	sadd.s32 s2, s18  }
0x8e: {  	[smem:$0x3FC5] =	sst s2  }
0x8f: {  	_ = 	snop  }
0x90: {  	s2 =	sld [smem:$0x3FC9]  }
0x91: {  	s19 =	sld [smem:$0x3FC8]  }
0x92: {  	s4 =	sld [smem:$0x3FC7]  }
0x93: {  	s5 =	sld [smem:$0x3FD0];
	(tm) =	ssettm $0x1  }
0x94: {  	s6 =	sld [smem:$0x3FFB];
	_ =	sdelay $0x3  }
0x95: {  	_ =	strace s6  }
0x96: {  	s6 =	sld [smem:$0x3FFC];
	_ =	sdelay $0x3  }
0x97: {  	_ =	strace s6  }
0x98: {  	s6 =	sld [smem:$0x3FFD];
	_ =	sdelay $0x3  }
0x99: {  	_ =	strace s6  }
0x9a: {  	_ =	strace $0x8FFFFFFF  }
0x9b: {  	s20 =	sld [smem:$0x3FDB];
	_ =	sdelay $0x1  }
0x9c: {  	s7 =	simm.s32 $_scs_section_size  }
0x9d: {  	s8 =	simm.s32 $_size__tile_overlayer_lowered;
	s9 =	simm.s32 $_tile_overlayer_lowered  }
0x9e: {  	s23 =	simm.s32 $0x1BFF;
	s22 =	sshll.u32 s9, $0x1;
	s6 =	sadd.s32 s7, s20  }
0x9f: {  	s10 =	simm.s32 $0x0;
	s21 =	sshll.u32 s8, $0x1;
	s8 =	sadd.s32 s22, s6  }
0xa0: {  	[timem:s10], [sflag:s23] =	dma.local [hbm:s8], s21  }
0xa1: {  	_ =	swait.ge [sflag:s23], s21  }
0xa2: {  	s7 =	ssub.s32 $0x0, s21;
	[sflag:s23] =	ssyncset.done $0x0  }
0xa3: {  	[sflag:s23] =	ssyncadd.s32 s7;
	_ =	sdelay $0x1  }
0xa4: {  	s24 =	simm.s32 $0x1B8B  }
0xa5: {  	_ =	swait.ge [sflag:s24], $0x1  }
0xa6: {  	[sflag:s24] =	ssyncset.done $0x0  }
0xa7: {  	s25 =	simm.s32 $0x1B8E;
	[sflag:s24] =	ssyncadd.s32 $0xFFFFFFFF  }
0xa8: {  	s26 =	simm.s32 $execute0_lowered;
	[smem:$0x3FD2] =	sst s25  }
0xa9: {  	s7 =	sshll.u32 s26, $0x1;
	_ =	strace $0x80000046;
	[dreg:$0x1] =	wrdreg $0xFFFFFFFF  }
0xaa: {  	s28 =	simm.s32 $_size_execute0_lowered;
	s6 =	sadd.s32 s6, s7;
	[dreg:$0x0] =	wrdreg $0x0  }
0xab: {  	s7 =	sshll.u32 s28, $0x1;
	[dreg:$0x2] =	wrdreg s6  }
0xac: {  	[dreg:$0x3] =	wrdreg s7  }
0xad: {  	[dreg:$0x4] =	wrdreg $0xC0  }
0xae: {  	_ =	task [dreg:s10], $0x5FFFF  }
0xaf: {  	[dreg:$0x1] =	wrdreg $0xFFFFFFFF  }
0xb0: {  	[dreg:$0x0] =	wrdreg $0x60  }
0xb1: {  	[dreg:$0x2] =	wrdreg s2  }
0xb2: {  	[dreg:$0x3] =	wrdreg s19  }
0xb3: {  	[dreg:$0x4] =	wrdreg s4  }
0xb4: {  	[dreg:$0x5] =	wrdreg s5  }
0xb5: {  	[dreg:$0x6] =	wrdreg $0x9  }
0xb6: {  	_ =	task.clear_ibuf [dreg:s10], $0x7FFFF;
	_ =	strace $0x90000046  }
0xb7: {  	s29 =	simm.s32 $0x9;
	_ =	strace $0x80000048  }
0xb8: {  	_ =	swait.ge [sflag:s29], $0x1  }
0xb9: {  	[sflag:s29] =	ssyncadd.s32 $0xFFFFFFFF  }
0xba: {  	_ =	strace $0x90000048  }
0xbb: {  	_ =	sfence  }
0xbc: {  	s30 =	sld [smem:$0x0];
	_ =	sdelay $0x2  }
0xbd: {  	s31 =	sshll.u32 s1, $0xD;
	s1 =	sshrl.u32 s1, $0x2  }
0xbe: {  	s3 =	sand.u32 $0x4000, s31;
	s1 =	sadd.s32 s1, s30  }
0xbf: {  	s0 =	sor.u32 s3, s0;
	s1 =	sshll.u32 s1, $0x11  }
0xc0: {  	s0 =	sor.u32 s1, s0  }
0xc1: {  	s0 =	sadd.s32 $0x8F2B, s0  }
0xc2: {  	[sflag:s0] =	ssyncadd.remote.s32 $0x1  }
0xc3: {  	_ =	sfence.sel $0xFFFF  }
0xc4: {  	[dreg:$0x0] =	wrdreg $0xFFFFFFFF;
	(pc) =	sbr.abs _section_cstart, $3  }
0xc5: {  	[dreg:$0x1] =	wrdreg $0xFFFFFFFF  }
0xc6: {  	_ =	task.clear_ibuf [dreg:s10], $0x2FFFF;
	_ =	strace $0x9FFFFFFF  }
0xc7: {  	(tm) =	ssettm $0x7FFFFFFF  }
tec
execute0_lowered:
.L_overlay_start_1:
0x0: {  	(tag) =	ssettag $0x1  }
0x1: {  	s7 =	rddreg [dreg:$0x0]  }
0x2: {  	s6 =	rddreg [dreg:$0x1]  }
0x3: {  	s1 =	rddreg [dreg:$0x2]  }
0x4: {  	s9 =	rddreg [dreg:$0x3]  }
0x5: {  	s0 =	rddreg [dreg:$0x4];
	s3 =	simm.s32 $0x0;
	s4 =	srdreg.scid  }
0x6: {  	s2 =	stileid.u32;
	s12 =	simm.s32 $0x8080;
	s13 =	simm.s32 $0x7  }
0x7: {  	s14 =	simm.s32 $0x4080;
	s15 =	simm.s32 $0xC080;
	s16 =	simm.s32 $0x1  }
0x8: {  	s17 =	simm.s32 $0x3;
	s18 =	simm.s32 $0x2;
	s19 =	simm.s32 $0x4  }
0x9: {  	s20 =	simm.s32 $0x5;
	s21 =	simm.s32 $0x6;
	s4 =	sand.u32 $0x1, s4  }
0xa: {  	s22 =	simm.s32 $0x0;
	[smem:$0x7FF] =	sst s3;
	s5 =	ssub.s32 $0x2, s4  }
0xb: {  	s8 =	sshll.u32 s2, $0xD;
	s4 =	sshll.u32 s4, $0xC;
	s10 =	sshrl.u32 s5, $0x1  }
0xc: {  	_ =	strace $0x80000047;
	s8 =	sor.u32 s4, s8;
	s10 =	ssub.s32 s5, s10  }
0xd: {  	s4 =	sadd.s32 s6, s8;
	s11 =	sor.u32 $0x800, s8;
	s5 =	sadd.s32 s7, s8  }
0xe: {  	s8 =	sadd.s32 s9, s8;
	s6 =	sadd.s32 s6, s11;
	s7 =	sadd.s32 s7, s11  }
0xf: {  	s9 =	sadd.s32 s9, s11;
	s10 =	smax.u32 s10, $0x1;
	s11 =	simm.s32 $0x80  }
.LBB2_1:
0x10: {  	[tilespmem:s11], [sflag:$0x1] =	stream.linear.gather [hbm4b:s4+s3], $0x4000, $0x38;
	[tilespmem:$0x10080] =	vst v63  }
0x11: {  	_ = 	snop  }
0x12: {  	[tilespmem:s12], [sflag:$0x3] =	stream.linear.gather [hbm4b:s5+s3], $0x4000, $0x38;
	[tilespmem:$0x10080] =	vst v63  }
0x13: {  	_ = 	snop  }
0x14: {  	[tilespmem:s3], [sflag:$0x7] =	stream.linear.gather [hbm4b:s1+s3], $0x64, $0x38;
	[tilespmem:$0x10080] =	vst v63  }
0x15: {  	_ =	swait.ge [sflag:s13], $0x64  }
0x16: {  	[sflag:s13] =	ssyncset.done $0x0  }
0x17: {  	[sflag:s13] =	ssyncadd.s32 $0xFFFFFF9C  }
0x18: {  	[tilespmem:s14], [sflag:$0x2] =	stream.linear.gather [hbm4b:s6+s3], $0x4000, $0x38;
	[tilespmem:$0x10080] =	vst v63  }
0x19: {  	_ = 	snop  }
0x1a: {  	[tilespmem:s15], [sflag:$0x4] =	stream.linear.gather [hbm4b:s7+s3], $0x4000, $0x38;
	[tilespmem:$0x10080] =	vst v63  }
0x1b: {  	_ =	swait.ge [sflag:s16], $0x4000  }
0x1c: {  	[sflag:s16] =	ssyncset.done $0x0  }
0x1d: {  	[sflag:s16] =	ssyncadd.s32 $0xFFFFC000  }
0x1e: {  	_ =	swait.ge [sflag:s17], $0x4000  }
0x1f: {  	[sflag:s17] =	ssyncset.done $0x0  }
0x20: {  	s23 =	simm.s32 $0xA0;
	[sflag:s17] =	ssyncadd.s32 $0xFFFFC000  }
0x21: {  	v0 =	vld [tilespmem:s23+$0x10]  }
0x22: {  	v1 =	vld [tilespmem:s23+$0xFFFFFFF0]  }
0x23: {  	v2 =	vld [tilespmem:s23+$0x0];
	_ =	sdelay $0x1  }
0x24: {  	s24 =	simm.s32 $0xE0;
	v3 =	vld [tilespmem:s23+$0xFFFFFFE0]  }
0x25: {  	v4 =	vld [tilespmem:s24+$0x10]  }
0x26: {  	v5 =	vld [tilespmem:s24+$0xFFFFFFF0]  }
0x27: {  	v7 =	vld [tilespmem:s24+$0x0]  }
0x28: {  	v0 =	vld.idx.msk [tilespmem:v0+s3+$0x0], $0xffff  }
0x29: {  	v1 =	vld.idx.msk [tilespmem:v1+s3+$0x0], $0xffff  }
0x2a: {  	v6 =	vld.idx.msk [tilespmem:v2+s3+$0x0], $0xffff  }
0x2b: {  	v2 =	vld [tilespmem:s24+$0xFFFFFFE0]  }
0x2c: {  	v3 =	vld.idx.msk [tilespmem:v3+s3+$0x0], $0xffff  }
0x2d: {  	s23 =	simm.s32 $0x80B0;
	v4 =	vld.idx.msk [tilespmem:v4+s3+$0x0], $0xffff  }
0x2e: {  	[tilespmem:s23+$0x0] =	vst.add.f32.msk $0xffff, v0  }
0x2f: {  	[tilespmem:s23+$0xFFFFFFE0] =	vst.add.f32.msk $0xffff, v1  }
0x30: {  	v0 =	vld.idx.msk [tilespmem:v5+s3+$0x0], $0xffff  }
0x31: {  	[tilespmem:s23+$0xFFFFFFF0] =	vst.add.f32.msk $0xffff, v6  }
0x32: {  	s25 =	simm.s32 $0x40;
	s26 =	simm.s32 $0x120;
	s24 =	simm.s32 $0x80B0;
	v1 =	vld.idx.msk [tilespmem:v7+s3+$0x0], $0xffff  }
.LBB2_2:
0x33: {  	v5 =	vld [tilespmem:s26+$0x10];
	s25 =	sadd.s32 $0x40, s25  }
0x34: {  	s23 =	sadd.s32 $0x40, s23;
	v6 =	vld [tilespmem:s26+$0xFFFFFFF0];
	p0 =	slt.u32 s25, $0x3FC0  }
0x35: {  	[tilespmem:s23+$0x0] =	vst.add.f32.msk $0xffff, v4  }
0x36: {  	v7 =	vld [tilespmem:s26+$0x0]  }
0x37: {  	v8 =	vld [tilespmem:s26+$0xFFFFFFE0]  }
0x38: {  	v9 =	vld.idx.msk [tilespmem:v2+s3+$0x0], $0xffff  }
0x39: {  	[tilespmem:s24+$0xFFFFFFD0] =	vst.add.f32.msk $0xffff, v3;
	s24 =	smov.u32 s23  }
.Ltmp0:
0x3a: {  	[tilespmem:s23+$0xFFFFFFE0] =	vst.add.f32.msk $0xffff, v0;
	(pc) =	sbr.rel @p0 .LBB2_2-.Ltmp0, $4  }
0x3b: {  	v4 =	vld.idx.msk [tilespmem:v5+s3+$0x0], $0xffff  }
0x3c: {  	v0 =	vld.idx.msk [tilespmem:v6+s3+$0x0], $0xffff;
	v2 =	vmov v8  }
0x3d: {  	[tilespmem:s23+$0xFFFFFFF0] =	vst.add.f32.msk $0xffff, v1  }
0x3e: {  	s26 =	sadd.s32 $0x40, s26;
	v3 =	vmov v9;
	v1 =	vld.idx.msk [tilespmem:v7+s3+$0x0], $0xffff  }
0x3f: {  	_ =	sdelay $0x3  }
0x40: {  	v2 =	vld.idx.msk [tilespmem:v2+s3+$0x0], $0xffff  }
0x41: {  	s23 =	sadd.s32 $0x40, s23;
	[tilespmem:s24+$0xFFFFFFD0] =	vst.add.f32.msk $0xffff, v3  }
0x42: {  	[tilespmem:s23+$0x0] =	vst.add.f32.msk $0xffff, v4  }
0x43: {  	[tilespmem:s23+$0xFFFFFFE0] =	vst.add.f32.msk $0xffff, v0  }
0x44: {  	[tilespmem:s23+$0xFFFFFFF0] =	vst.add.f32.msk $0xffff, v1  }
0x45: {  	[tilespmem:s23+$0xFFFFFFD0] =	vst.add.f32.msk $0xffff, v2  }
0x46: {  	[hbm4b:s8+s3] =	stream.linear.scatter [tilespmem:s12], [sflag:$0x5], $0x4000, $0x38;
	[tilespmem:$0x10080] =	vst v63  }
0x47: {  	_ =	swait.ge [sflag:s18], $0x4000  }
0x48: {  	[sflag:s18] =	ssyncset.done $0x0  }
0x49: {  	[sflag:s18] =	ssyncadd.s32 $0xFFFFC000  }
0x4a: {  	_ =	swait.ge [sflag:s19], $0x4000  }
0x4b: {  	[sflag:s19] =	ssyncset.done $0x0  }
0x4c: {  	s30 =	simm.s32 $0x40A0;
	[sflag:s19] =	ssyncadd.s32 $0xFFFFC000  }
0x4d: {  	v0 =	vld [tilespmem:s30+$0x10]  }
0x4e: {  	v1 =	vld [tilespmem:s30+$0xFFFFFFF0]  }
0x4f: {  	v2 =	vld [tilespmem:s30+$0x0];
	_ =	sdelay $0x1  }
0x50: {  	s31 =	simm.s32 $0x40E0;
	v3 =	vld [tilespmem:s30+$0xFFFFFFE0]  }
0x51: {  	v4 =	vld [tilespmem:s31+$0x10]  }
0x52: {  	v5 =	vld [tilespmem:s31+$0xFFFFFFF0]  }
0x53: {  	v7 =	vld [tilespmem:s31+$0x0]  }
0x54: {  	v0 =	vld.idx.msk [tilespmem:v0+s3+$0x0], $0xffff  }
0x55: {  	v1 =	vld.idx.msk [tilespmem:v1+s3+$0x0], $0xffff  }
0x56: {  	v6 =	vld.idx.msk [tilespmem:v2+s3+$0x0], $0xffff  }
0x57: {  	v2 =	vld [tilespmem:s31+$0xFFFFFFE0]  }
0x58: {  	v3 =	vld.idx.msk [tilespmem:v3+s3+$0x0], $0xffff  }
0x59: {  	s23 =	simm.s32 $0xC0B0;
	v4 =	vld.idx.msk [tilespmem:v4+s3+$0x0], $0xffff  }
0x5a: {  	[tilespmem:s23+$0x0] =	vst.add.f32.msk $0xffff, v0  }
0x5b: {  	[tilespmem:s23+$0xFFFFFFE0] =	vst.add.f32.msk $0xffff, v1  }
0x5c: {  	v0 =	vld.idx.msk [tilespmem:v5+s3+$0x0], $0xffff  }
0x5d: {  	[tilespmem:s23+$0xFFFFFFF0] =	vst.add.f32.msk $0xffff, v6  }
0x5e: {  	s25 =	simm.s32 $0x40;
	s26 =	simm.s32 $0x4120;
	s24 =	simm.s32 $0xC0B0;
	v1 =	vld.idx.msk [tilespmem:v7+s3+$0x0], $0xffff  }
.LBB2_4:
0x5f: {  	v5 =	vld [tilespmem:s26+$0x10];
	s25 =	sadd.s32 $0x40, s25  }
0x60: {  	s23 =	sadd.s32 $0x40, s23;
	v6 =	vld [tilespmem:s26+$0xFFFFFFF0];
	p0 =	slt.u32 s25, $0x3FC0  }
0x61: {  	[tilespmem:s23+$0x0] =	vst.add.f32.msk $0xffff, v4  }
0x62: {  	v7 =	vld [tilespmem:s26+$0x0]  }
0x63: {  	v8 =	vld [tilespmem:s26+$0xFFFFFFE0]  }
0x64: {  	v9 =	vld.idx.msk [tilespmem:v2+s3+$0x0], $0xffff  }
0x65: {  	[tilespmem:s24+$0xFFFFFFD0] =	vst.add.f32.msk $0xffff, v3;
	s24 =	smov.u32 s23  }
.Ltmp1:
0x66: {  	[tilespmem:s23+$0xFFFFFFE0] =	vst.add.f32.msk $0xffff, v0;
	(pc) =	sbr.rel @p0 .LBB2_4-.Ltmp1, $4  }
0x67: {  	v4 =	vld.idx.msk [tilespmem:v5+s3+$0x0], $0xffff  }
0x68: {  	v0 =	vld.idx.msk [tilespmem:v6+s3+$0x0], $0xffff;
	v2 =	vmov v8  }
0x69: {  	[tilespmem:s23+$0xFFFFFFF0] =	vst.add.f32.msk $0xffff, v1  }
0x6a: {  	s26 =	sadd.s32 $0x40, s26;
	v3 =	vmov v9;
	v1 =	vld.idx.msk [tilespmem:v7+s3+$0x0], $0xffff  }
0x6b: {  	_ =	sdelay $0x3  }
0x6c: {  	v2 =	vld.idx.msk [tilespmem:v2+s3+$0x0], $0xffff  }
0x6d: {  	s23 =	sadd.s32 $0x40, s23;
	[tilespmem:s24+$0xFFFFFFD0] =	vst.add.f32.msk $0xffff, v3  }
0x6e: {  	[tilespmem:s23+$0x0] =	vst.add.f32.msk $0xffff, v4  }
0x6f: {  	[tilespmem:s23+$0xFFFFFFE0] =	vst.add.f32.msk $0xffff, v0  }
0x70: {  	[tilespmem:s23+$0xFFFFFFF0] =	vst.add.f32.msk $0xffff, v1  }
0x71: {  	s22 =	sadd.s32 $0x1, s22;
	[tilespmem:s23+$0xFFFFFFD0] =	vst.add.f32.msk $0xffff, v2  }
0x72: {  	[hbm4b:s9+s3] =	stream.linear.scatter [tilespmem:s15], [sflag:$0x6], $0x4000, $0x38;
	[tilespmem:$0x10080] =	vst v63  }
0x73: {  	p0 =	sne.s32 s22, s10;
	_ =	swait.ge [sflag:s20], $0x4000  }
.Ltmp2:
0x74: {  	[sflag:s20] =	ssyncset.done $0x0;
	(pc) =	sbr.rel @p0 .LBB2_1-.Ltmp2, $4  }
0x75: {  	[sflag:s20] =	ssyncadd.s32 $0xFFFFC000  }
0x76: {  	_ =	swait.ge [sflag:s21], $0x4000  }
0x77: {  	[sflag:s21] =	ssyncset.done $0x0  }
0x78: {  	[sflag:s21] =	ssyncadd.s32 $0xFFFFC000  }
0x79: {  	_ =	sfence.sel $0x180000  }
0x7a: {  	[bflag:$0x0] =	sbarrier.arrive $0xFFFF  }
0x7b: {  	p0 =	sne.s32 s2, $0x0;
	_ =	strace $0x90000047  }
0x7c: {  	s0 =	sadd.s32 @!p0 $0x100000, s0;
	[bflag:$0x2] =	sbarrier.arrive $0xFFFF  }
0x7d: {  	[sflag:s0] =	ssyncadd.tile.s32 @!p0 $0x1;
	_ =	shalt  }
.Lfunc_end2:
_tile_overlayer_lowered:
.L_overlay_start_2:
0x7e: {  	(tag) =	ssettag $0x2  }
0x7f: {  	s0 =	rddreg [dreg:$0x0];
	s2 =	stileid.u32  }
0x80: {  	s1 =	rddreg [dreg:$0x1];
	p0 =	sne.s32 s2, $0x0  }
0x81: {  	s3 =	rddreg [dreg:$0x2];
	[bflag:$0x3] =	sbarrier.arrive $0xFFFF;
	s2 =	simm.s32 @!p0 $0x1C07  }
0x82: {  	[timem:s3], [sflag:s2] =	dma.local @!p0 [hbm:s0], s1  }
0x83: {  	s0 =	simm.s32 @!p0 $0x7  }
0x84: {  	_ =	swait.ge @!p0 [sflag:s0], s1  }
0x85: {  	s1 =	ssub.s32 @!p0 $0x0, s1;
	[sflag:s0] =	ssyncset.done @!p0 $0x0  }
0x86: {  	[sflag:s0] =	ssyncadd.s32 @!p0 s1  }
0x87: {  	[bflag:$0x3] =	sbarrier.arrive $0xFFFF  }
0x88: {  	_ =	shalt  }

</sc_bundles>
